<compile_context>
chip_gen: v7x
topology: tpu7x:2x2x1
jax: 0.10.2.dev20260603
libtpu: 0.0.44.dev20260713+nightly
codegen_flags: <defaults>
</compile_context>

<pallas_src>
import jax
import jax.numpy as jnp
from jax import lax
from jax.experimental import pallas as pl
from jax.experimental.pallas import tpu as pltpu
from jax.experimental.pallas import tpu_sc as plsc

B = 4096
D = 64
K = 100000
H = 2 * D
G = 3 * H
EMA_M = 0.5

NC = 2
NS = 16
NW = NC * NS
BPW = B // NW

def _sc_mesh():
    return plsc.VectorSubcoreMesh(
        core_axis_name="c", subcore_axis_name="s",
        num_cores=NC, num_subcores=NS)


def _gather_body(a_hbm, idx_hbm, old_hbm, idx_v, rows_v, sem):
    wid = lax.axis_index("s") * NC + lax.axis_index("c")
    base = wid * BPW
    pltpu.sync_copy(idx_hbm.at[pl.ds(base, BPW)], idx_v)
    pltpu.async_copy(a_hbm.at[idx_v], rows_v, sem).wait()
    pltpu.sync_copy(rows_v, old_hbm.at[pl.ds(base, BPW)])


def _sc_gather(a, flat_idx):
    return pl.kernel(
        _gather_body,
        out_type=jax.ShapeDtypeStruct((B, H), jnp.float32),
        mesh=_sc_mesh(),
        scratch_types=[
            pltpu.VMEM((BPW,), jnp.int32),
            pltpu.VMEM((BPW, H), jnp.float32),
            pltpu.SemaphoreType.DMA,
        ],
    )(a, flat_idx)


def _scatter_body(out_hbm, new_hbm, idx_hbm, idx_v, rows_v, sem):
    wid = lax.axis_index("s") * NC + lax.axis_index("c")
    base = wid * BPW
    pltpu.sync_copy(idx_hbm.at[pl.ds(base, BPW)], idx_v)
    pltpu.sync_copy(new_hbm.at[pl.ds(base, BPW)], rows_v)
    pltpu.async_copy(rows_v, out_hbm.at[idx_v], sem).wait()


def _sc_scatter(out_ref, new, flat_idx):
    return pl.kernel(
        _scatter_body,
        out_type=(),
        mesh=_sc_mesh(),
        scratch_types=[
            pltpu.VMEM((BPW,), jnp.int32),
            pltpu.VMEM((BPW, H), jnp.float32),
            pltpu.SemaphoreType.DMA,
        ],
    )(out_ref, new, flat_idx)


NSTEP = 10
CROWS = K // NSTEP
CTILE = 416


def _fused_body(a_ref, idxc_ref, idxr_ref, msg_ref, old_ref,
                wih_ref, whh_ref, bih_ref, bhh_ref, cp_ref, new_ref):
    cp_ref[...] = a_ref[...]

    eq = idxc_ref[...] == idxr_ref[...]
    e = eq.astype(jnp.bfloat16)
    cnt = jnp.sum(eq.astype(jnp.float32), axis=1, keepdims=True)
    dn = (((1,), (0,)), ((), ()))
    msum = lax.dot_general(e, msg_ref[...], dn,
                           preferred_element_type=jnp.float32)
    m = msum * (1.0 / (cnt + 1e-9))

    old = old_ref[...]
    dnt = (((1,), (1,)), ((), ()))
    gi = lax.dot_general(m, wih_ref[...], dnt) + bih_ref[...]
    gh = lax.dot_general(old, whh_ref[...], dnt) + bhh_ref[...]
    r = jax.nn.sigmoid(gi[:, :H] + gh[:, :H])
    z = jax.nn.sigmoid(gi[:, H:2 * H] + gh[:, H:2 * H])
    n = jnp.tanh(gi[:, 2 * H:] + r * gh[:, 2 * H:])
    hn = (1.0 - z) * n + z * old
    new_ref[...] = old * (1.0 - EMA_M) + hn * EMA_M


def _tc_fused(a, idx_col, idx_row, msg, old,
              W_ih, W_hh, b_ih, b_hh):
    return pl.pallas_call(
        _fused_body,
        grid=(NSTEP,),
        in_specs=[
            pl.BlockSpec((CROWS, H), lambda i: (i, 0)),
            pl.BlockSpec((CTILE, 1), lambda i: (i, 0)),
            pl.BlockSpec((1, B), lambda i: (0, 0)),
            pl.BlockSpec((B, H), lambda i: (0, 0)),
            pl.BlockSpec((CTILE, H), lambda i: (i, 0)),
            pl.BlockSpec((G, H), lambda i: (0, 0)),
            pl.BlockSpec((G, H), lambda i: (0, 0)),
            pl.BlockSpec((1, G), lambda i: (0, 0)),
            pl.BlockSpec((1, G), lambda i: (0, 0)),
        ],
        out_specs=[
            pl.BlockSpec((CROWS, H), lambda i: (i, 0)),
            pl.BlockSpec((CTILE, H), lambda i: (i, 0)),
        ],
        out_shape=[
            jax.ShapeDtypeStruct((K, H), jnp.float32),
            jax.ShapeDtypeStruct((B, H), jnp.float32),
        ],
        compiler_params=pltpu.CompilerParams(
            dimension_semantics=("parallel",),
        ),
    )(a, idx_col, idx_row, msg, old, W_ih, W_hh, b_ih, b_hh)


def kernel(h_fast, h_slow, idx, A_states, W_ih, W_hh, b_ih, b_hh):
    flat_idx = idx.reshape(-1)
    old = _sc_gather(A_states, flat_idx)
    msg = jnp.concatenate([h_fast, h_slow], axis=1).astype(jnp.bfloat16)
    cp, new = _tc_fused(
        A_states, idx.reshape(B, 1), idx.reshape(1, B), msg,
        old, W_ih, W_hh, b_ih.reshape(1, G), b_hh.reshape(1, G))
    out_ref = jax.new_ref(cp)
    _sc_scatter(out_ref, new, flat_idx)
    return out_ref[...]

# --- scband reference (transcript-rebuilt; emitter-appended) ---
"""Pipeline reference for scband-fluxon-updater-cos-15444702396964 (READ-ONLY COPY).

The authoritative reference and input builder live on the scoring server;
editing this copy changes nothing except your own understanding.
"""

import jax, jax.numpy as jnp
import numpy as np

B = 4096
D = 64
K = 100000
H = 2 * D
EMA_M = 0.5


def setup_inputs(seed: int = 0):
    key = jax.random.key(seed)
    ks = jax.random.split(key, 8)
    h_fast = jax.random.normal(ks[0], (B, D), dtype=jnp.float32)
    h_slow = jax.random.normal(ks[1], (B, D), dtype=jnp.float32)
    idx = jax.random.randint(ks[2], (B, 1), 0, K, dtype=jnp.int32)
    A_states = jax.random.normal(ks[3], (K, H), dtype=jnp.float32)
    W_ih = jax.random.normal(ks[4], (3 * H, H), dtype=jnp.float32) * 0.05
    W_hh = jax.random.normal(ks[5], (3 * H, H), dtype=jnp.float32) * 0.05
    b_ih = jax.random.normal(ks[6], (3 * H,), dtype=jnp.float32) * 0.05
    b_hh = jax.random.normal(ks[7], (3 * H,), dtype=jnp.float32) * 0.05
    return {"h_fast": h_fast, "h_slow": h_slow, "idx": idx, "A_states": A_states,
            "W_ih": W_ih, "W_hh": W_hh, "b_ih": b_ih, "b_hh": b_hh}


def _gru_cell(x, h, W_ih, W_hh, b_ih, b_hh):
    # torch.nn.GRUCell semantics, gate order (r, z, n)
    gi = x @ W_ih.T + b_ih
    gh = h @ W_hh.T + b_hh
    i_r, i_z, i_n = jnp.split(gi, 3, axis=1)
    h_r, h_z, h_n = jnp.split(gh, 3, axis=1)
    r = jax.nn.sigmoid(i_r + h_r)
    z = jax.nn.sigmoid(i_z + h_z)
    n = jnp.tanh(i_n + r * h_n)
    return (1.0 - z) * n + z * h


def reference(h_fast, h_slow, idx, A_states, W_ih, W_hh, b_ih, b_hh):
    flat_idx = idx.reshape(-1)
    uniq, inv = jnp.unique(flat_idx, return_inverse=True,
                           size=flat_idx.shape[0], fill_value=K)
    inv = inv.reshape(-1)
    num_u = int(uniq.shape[0])
    # message and per-unique-index mean (equivalent to the torch cumsum/group trick)
    message = jnp.concatenate([h_fast, h_slow], axis=-1)
    agg = jax.ops.segment_sum(message, inv, num_segments=num_u)
    cnt = jax.ops.segment_sum(jnp.ones((message.shape[0], 1), message.dtype), inv, num_segments=num_u)
    m_mean = agg / (cnt + 1e-9)
    # gather selected fluxion centers, update via GRU cell + EMA blend
    old_sel = A_states[uniq]
    new_sel = _gru_cell(m_mean, old_sel, W_ih, W_hh, b_ih, b_hh)
    new_sel = old_sel * (1.0 - EMA_M) + new_sel * EMA_M
    # scatter-overwrite only the touched rows
    updated = A_states.at[uniq].set(new_sel, mode='drop')
    return updated

if __name__ == "__main__":
    import jax
    _d = setup_inputs()
    print(jax.jit(kernel)(*tuple(_d.values())))

</pallas_src>

<mosaic_0001>
#map = affine_map<(d0, d1) -> (0, 0)>
#map1 = affine_map<(d0, d1) -> (0)>
module attributes {stable_mosaic.version = 14 : i64} {
  func.func @_gather_body(%arg0: i32, %arg1: i32, %arg2: memref<100000x128xf32, #tpu.memory_space<hbm>>, %arg3: memref<4096xi32, #tpu.memory_space<hbm>>, %arg4: memref<4096x128xf32, #tpu.memory_space<hbm>>, %arg5: memref<128xi32, #tpu.memory_space<vmem>>, %arg6: memref<128x128xf32, #tpu.memory_space<vmem>>, %arg7: memref<!tpu.dma_semaphore, #tpu.memory_space<semaphore_mem>>) attributes {dimension_semantics = [#tpu.dimension_semantics<core_parallel>, #tpu.dimension_semantics<subcore_parallel>], iteration_bounds = array<i64: 2, 16>, scalar_prefetch = 0 : i64, scratch_operands = 3 : i64, tpu.core_type = #tpu.core_type<sc_vector_subcore>, window_params = [{transform_indices = #map}, {transform_indices = #map1}, {transform_indices = #map}]} {
    %mul3A = arith.constant 2 : i32
    %mul3A_0 = arith.muli %arg1, %mul3A : i32
    %add3A = arith.addi %mul3A_0, %arg0 : i32
    %mul3A_1 = arith.constant 128 : i32
    %mul3A_2 = arith.muli %add3A, %mul3A_1 : i32
    "tpu.region"() ({
      %run_scoped3A = tpu.sem_alloc : memref<!tpu.dma_semaphore, #tpu.memory_space<semaphore_mem>>
      %dma_start3A_7 = tpu.memref_slice %arg3[%mul3A_2] : memref<4096xi32, #tpu.memory_space<hbm>> -> memref<128xi32, #tpu.memory_space<hbm>>
      %dma_start3A_8 = tpu.memref_slice %arg3[%mul3A_2] : memref<4096xi32, #tpu.memory_space<hbm>> -> memref<128xi32, #tpu.memory_space<hbm>>
      tpu.enqueue_dma source(%dma_start3A_8 : memref<128xi32, #tpu.memory_space<hbm>>) target(%arg5 : memref<128xi32, #tpu.memory_space<vmem>>) target_semaphore(%run_scoped3A : memref<!tpu.dma_semaphore, #tpu.memory_space<semaphore_mem>>)
      %dma_wait3A_9 = tpu.memref_slice %arg3[%mul3A_2] : memref<4096xi32, #tpu.memory_space<hbm>> -> memref<128xi32, #tpu.memory_space<hbm>>
      %dma_wait3A_10 = tpu.memref_slice %arg3[%mul3A_2] : memref<4096xi32, #tpu.memory_space<hbm>> -> memref<128xi32, #tpu.memory_space<hbm>>
      tpu.wait_dma2 semaphore(%run_scoped3A : memref<!tpu.dma_semaphore, #tpu.memory_space<semaphore_mem>>) src(%dma_wait3A_10 : memref<128xi32, #tpu.memory_space<hbm>>) dst(%arg5 : memref<128xi32, #tpu.memory_space<vmem>>)
      tpu.yield
    }) : () -> ()
    %dma_start3A = arith.constant 0 : i32
    %dma_start3A_3 = arith.constant 0 : i32
    %dma_start3A_4 = tpu.memref_slice %arg2[%dma_start3A, %dma_start3A_3] : memref<100000x128xf32, #tpu.memory_space<hbm>> -> memref<100000x128xf32, #tpu.memory_space<hbm>>
    tpu.enqueue_indirect_dma source(%dma_start3A_4 : memref<100000x128xf32, #tpu.memory_space<hbm>>) target(%arg6 : memref<128x128xf32, #tpu.memory_space<vmem>>) offsets(%arg5 : memref<128xi32, #tpu.memory_space<vmem>>) semaphore(%arg7 : memref<!tpu.dma_semaphore, #tpu.memory_space<semaphore_mem>>)
    %dma_wait3A = arith.constant 0 : i32
    %dma_wait3A_5 = arith.constant 0 : i32
    %dma_wait3A_6 = tpu.memref_slice %arg2[%dma_wait3A, %dma_wait3A_5] : memref<100000x128xf32, #tpu.memory_space<hbm>> -> memref<100000x128xf32, #tpu.memory_space<hbm>>
    tpu.wait_indirect_dma semaphore(%arg7 : memref<!tpu.dma_semaphore, #tpu.memory_space<semaphore_mem>>) src(%dma_wait3A_6 : memref<100000x128xf32, #tpu.memory_space<hbm>>) dst(%arg6 : memref<128x128xf32, #tpu.memory_space<vmem>>)
    "tpu.region"() ({
      %run_scoped3A = tpu.sem_alloc : memref<!tpu.dma_semaphore, #tpu.memory_space<semaphore_mem>>
      %dma_start3A_7 = arith.constant 0 : i32
      %dma_start3A_8 = tpu.memref_slice %arg4[%mul3A_2, %dma_start3A_7] : memref<4096x128xf32, #tpu.memory_space<hbm>> -> memref<128x128xf32, #tpu.memory_space<hbm>>
      %dma_start3A_9 = arith.constant 0 : i32
      %dma_start3A_10 = tpu.memref_slice %arg4[%mul3A_2, %dma_start3A_9] : memref<4096x128xf32, #tpu.memory_space<hbm>> -> memref<128x128xf32, #tpu.memory_space<hbm>>
      tpu.enqueue_dma source(%arg6 : memref<128x128xf32, #tpu.memory_space<vmem>>) target(%dma_start3A_10 : memref<128x128xf32, #tpu.memory_space<hbm>>) target_semaphore(%run_scoped3A : memref<!tpu.dma_semaphore, #tpu.memory_space<semaphore_mem>>)
      %dma_wait3A_11 = arith.constant 0 : i32
      %dma_wait3A_12 = tpu.memref_slice %arg4[%mul3A_2, %dma_wait3A_11] : memref<4096x128xf32, #tpu.memory_space<hbm>> -> memref<128x128xf32, #tpu.memory_space<hbm>>
      %dma_wait3A_13 = arith.constant 0 : i32
      %dma_wait3A_14 = tpu.memref_slice %arg4[%mul3A_2, %dma_wait3A_13] : memref<4096x128xf32, #tpu.memory_space<hbm>> -> memref<128x128xf32, #tpu.memory_space<hbm>>
      tpu.wait_dma2 semaphore(%run_scoped3A : memref<!tpu.dma_semaphore, #tpu.memory_space<semaphore_mem>>) src(%arg6 : memref<128x128xf32, #tpu.memory_space<vmem>>) dst(%dma_wait3A_14 : memref<128x128xf32, #tpu.memory_space<hbm>>)
      tpu.yield
    }) : () -> ()
    return
  }
}

#map = affine_map<(d0, d1) -> (0, 0)>
#map1 = affine_map<(d0, d1) -> (0)>
module attributes {stable_mosaic.version = 14 : i64} {
  func.func @new_body(%arg0: i32, %arg1: i32, %arg2: memref<100000x128xf32, #tpu.memory_space<hbm>>, %arg3: memref<4096x128xf32, #tpu.memory_space<hbm>>, %arg4: memref<4096xi32, #tpu.memory_space<hbm>>, %arg5: memref<100000x128xf32, #tpu.memory_space<hbm>>, %arg6: memref<128xi32, #tpu.memory_space<vmem>>, %arg7: memref<128x128xf32, #tpu.memory_space<vmem>>, %arg8: memref<!tpu.dma_semaphore, #tpu.memory_space<semaphore_mem>>) attributes {dimension_semantics = [#tpu.dimension_semantics<core_parallel>, #tpu.dimension_semantics<subcore_parallel>], iteration_bounds = array<i64: 2, 16>, scalar_prefetch = 0 : i64, scratch_operands = 3 : i64, tpu.core_type = #tpu.core_type<sc_vector_subcore>, window_params = [{transform_indices = #map}, {transform_indices = #map}, {transform_indices = #map1}, {transform_indices = #map}]} {
    %mul3A = arith.constant 2 : i32
    %mul3A_0 = arith.muli %arg1, %mul3A : i32
    %add3A = arith.addi %mul3A_0, %arg0 : i32
    %mul3A_1 = arith.constant 128 : i32
    %mul3A_2 = arith.muli %add3A, %mul3A_1 : i32
    "tpu.region"() ({
      %run_scoped3A = tpu.sem_alloc : memref<!tpu.dma_semaphore, #tpu.memory_space<semaphore_mem>>
      %dma_start3A_7 = tpu.memref_slice %arg4[%mul3A_2] : memref<4096xi32, #tpu.memory_space<hbm>> -> memref<128xi32, #tpu.memory_space<hbm>>
      %dma_start3A_8 = tpu.memref_slice %arg4[%mul3A_2] : memref<4096xi32, #tpu.memory_space<hbm>> -> memref<128xi32, #tpu.memory_space<hbm>>
      tpu.enqueue_dma source(%dma_start3A_8 : memref<128xi32, #tpu.memory_space<hbm>>) target(%arg6 : memref<128xi32, #tpu.memory_space<vmem>>) target_semaphore(%run_scoped3A : memref<!tpu.dma_semaphore, #tpu.memory_space<semaphore_mem>>)
      %dma_wait3A_9 = tpu.memref_slice %arg4[%mul3A_2] : memref<4096xi32, #tpu.memory_space<hbm>> -> memref<128xi32, #tpu.memory_space<hbm>>
      %dma_wait3A_10 = tpu.memref_slice %arg4[%mul3A_2] : memref<4096xi32, #tpu.memory_space<hbm>> -> memref<128xi32, #tpu.memory_space<hbm>>
      tpu.wait_dma2 semaphore(%run_scoped3A : memref<!tpu.dma_semaphore, #tpu.memory_space<semaphore_mem>>) src(%dma_wait3A_10 : memref<128xi32, #tpu.memory_space<hbm>>) dst(%arg6 : memref<128xi32, #tpu.memory_space<vmem>>)
      tpu.yield
    }) : () -> ()
    "tpu.region"() ({
      %run_scoped3A = tpu.sem_alloc : memref<!tpu.dma_semaphore, #tpu.memory_space<semaphore_mem>>
      %dma_start3A_7 = arith.constant 0 : i32
      %dma_start3A_8 = tpu.memref_slice %arg3[%mul3A_2, %dma_start3A_7] : memref<4096x128xf32, #tpu.memory_space<hbm>> -> memref<128x128xf32, #tpu.memory_space<hbm>>
      %dma_start3A_9 = arith.constant 0 : i32
      %dma_start3A_10 = tpu.memref_slice %arg3[%mul3A_2, %dma_start3A_9] : memref<4096x128xf32, #tpu.memory_space<hbm>> -> memref<128x128xf32, #tpu.memory_space<hbm>>
      tpu.enqueue_dma source(%dma_start3A_10 : memref<128x128xf32, #tpu.memory_space<hbm>>) target(%arg7 : memref<128x128xf32, #tpu.memory_space<vmem>>) target_semaphore(%run_scoped3A : memref<!tpu.dma_semaphore, #tpu.memory_space<semaphore_mem>>)
      %dma_wait3A_11 = arith.constant 0 : i32
      %dma_wait3A_12 = tpu.memref_slice %arg3[%mul3A_2, %dma_wait3A_11] : memref<4096x128xf32, #tpu.memory_space<hbm>> -> memref<128x128xf32, #tpu.memory_space<hbm>>
      %dma_wait3A_13 = arith.constant 0 : i32
      %dma_wait3A_14 = tpu.memref_slice %arg3[%mul3A_2, %dma_wait3A_13] : memref<4096x128xf32, #tpu.memory_space<hbm>> -> memref<128x128xf32, #tpu.memory_space<hbm>>
      tpu.wait_dma2 semaphore(%run_scoped3A : memref<!tpu.dma_semaphore, #tpu.memory_space<semaphore_mem>>) src(%dma_wait3A_14 : memref<128x128xf32, #tpu.memory_space<hbm>>) dst(%arg7 : memref<128x128xf32, #tpu.memory_space<vmem>>)
      tpu.yield
    }) : () -> ()
    %dma_start3A = arith.constant 0 : i32
    %dma_start3A_3 = arith.constant 0 : i32
    %dma_start3A_4 = tpu.memref_slice %arg2[%dma_start3A, %dma_start3A_3] : memref<100000x128xf32, #tpu.memory_space<hbm>> -> memref<100000x128xf32, #tpu.memory_space<hbm>>
    tpu.enqueue_indirect_dma source(%arg7 : memref<128x128xf32, #tpu.memory_space<vmem>>) target(%dma_start3A_4 : memref<100000x128xf32, #tpu.memory_space<hbm>>) offsets(%arg6 : memref<128xi32, #tpu.memory_space<vmem>>) semaphore(%arg8 : memref<!tpu.dma_semaphore, #tpu.memory_space<semaphore_mem>>)
    %dma_wait3A = arith.constant 0 : i32
    %dma_wait3A_5 = arith.constant 0 : i32
    %dma_wait3A_6 = tpu.memref_slice %arg2[%dma_wait3A, %dma_wait3A_5] : memref<100000x128xf32, #tpu.memory_space<hbm>> -> memref<100000x128xf32, #tpu.memory_space<hbm>>
    tpu.wait_indirect_dma semaphore(%arg8 : memref<!tpu.dma_semaphore, #tpu.memory_space<semaphore_mem>>) src(%arg7 : memref<128x128xf32, #tpu.memory_space<vmem>>) dst(%dma_wait3A_6 : memref<100000x128xf32, #tpu.memory_space<hbm>>)
    return
  }
}

module attributes {stable_mosaic.version = 14 : i64} {
  func.func @_fused_body(%arg0: i32, %arg1: memref<10000x128xf32, #tpu.memory_space<vmem>>, %arg2: memref<416x1xi32, #tpu.memory_space<vmem>>, %arg3: memref<1x4096xi32, #tpu.memory_space<vmem>>, %arg4: memref<4096x128xbf16, #tpu.memory_space<vmem>>, %arg5: memref<416x128xf32, #tpu.memory_space<vmem>>, %arg6: memref<384x128xf32, #tpu.memory_space<vmem>>, %arg7: memref<384x128xf32, #tpu.memory_space<vmem>>, %arg8: memref<1x384xf32, #tpu.memory_space<vmem>>, %arg9: memref<1x384xf32, #tpu.memory_space<vmem>>, %arg10: memref<10000x128xf32, #tpu.memory_space<vmem>>, %arg11: memref<416x128xf32, #tpu.memory_space<vmem>>) attributes {dimension_semantics = [#tpu.dimension_semantics<parallel>], iteration_bounds = array<i64: 10>, scalar_prefetch = 0 : i64, scratch_operands = 0 : i64, tpu.core_type = #tpu.core_type<tc>, window_params = [{transform_indices = @transform_0, window_bounds = array<i64: 10000, 128>}, {transform_indices = @transform_1, window_bounds = array<i64: 416, 1>}, {pipeline_mode = #tpu.pipeline_mode<synchronous>, transform_indices = @transform_2, window_bounds = array<i64: 1, 4096>}, {pipeline_mode = #tpu.pipeline_mode<synchronous>, transform_indices = @transform_3, window_bounds = array<i64: 4096, 128>}, {transform_indices = @transform_4, window_bounds = array<i64: 416, 128>}, {pipeline_mode = #tpu.pipeline_mode<synchronous>, transform_indices = @transform_5, window_bounds = array<i64: 384, 128>}, {pipeline_mode = #tpu.pipeline_mode<synchronous>, transform_indices = @transform_6, window_bounds = array<i64: 384, 128>}, {pipeline_mode = #tpu.pipeline_mode<synchronous>, transform_indices = @transform_7, window_bounds = array<i64: 1, 384>}, {pipeline_mode = #tpu.pipeline_mode<synchronous>, transform_indices = @transform_8, window_bounds = array<i64: 1, 384>}, {transform_indices = @transform_9, window_bounds = array<i64: 10000, 128>}, {transform_indices = @transform_10, window_bounds = array<i64: 416, 128>}]} {
    %get3A = arith.constant 0 : index
    %get3A_0 = arith.constant 0 : index
    %get3A_1 = vector.load %arg1[%get3A, %get3A_0] : memref<10000x128xf32, #tpu.memory_space<vmem>>, vector<10000x128xf32>
    %swap3A = arith.constant 0 : index
    %swap3A_2 = arith.constant 0 : index
    %swap3A_3 = vector.load %arg10[%swap3A, %swap3A_2] : memref<10000x128xf32, #tpu.memory_space<vmem>>, vector<10000x128xf32>
    tpu.vector_store %arg10[%swap3A, %swap3A_2], %get3A_1 {strides = array<i32>} : memref<10000x128xf32, #tpu.memory_space<vmem>>, vector<10000x128xf32>,
    %get3A_4 = arith.constant 0 : index
    %get3A_5 = arith.constant 0 : index
    %get3A_6 = vector.load %arg2[%get3A_4, %get3A_5] : memref<416x1xi32, #tpu.memory_space<vmem>>, vector<416x1xi32>
    %get3A_7 = arith.constant 0 : index
    %get3A_8 = arith.constant 0 : index
    %get3A_9 = vector.load %arg3[%get3A_7, %get3A_8] : memref<1x4096xi32, #tpu.memory_space<vmem>>, vector<1x4096xi32>
    %eq3A = vector.broadcast %get3A_6 : vector<416x1xi32> to vector<416x4096xi32>
    %eq3A_10 = vector.broadcast %get3A_9 : vector<1x4096xi32> to vector<416x4096xi32>
    %eq3A_11 = arith.cmpi eq, %eq3A, %eq3A_10 : vector<416x4096xi32>
    %convert_element_type3A = arith.extui %eq3A_11 : vector<416x4096xi1> to vector<416x4096xi32>
    %convert_element_type3A_12 = arith.sitofp %convert_element_type3A : vector<416x4096xi32> to vector<416x4096xf32>
    %convert_element_type3A_13 = arith.truncf %convert_element_type3A_12 : vector<416x4096xf32> to vector<416x4096xbf16>
    %convert_element_type3A_14 = arith.extui %eq3A_11 : vector<416x4096xi1> to vector<416x4096xi32>
    %convert_element_type3A_15 = arith.sitofp %convert_element_type3A_14 : vector<416x4096xi32> to vector<416x4096xf32>
    %reduce_sum3A = arith.constant dense<0.000000e+00> : vector<416xf32>
    %reduce_sum3A_16 = vector.multi_reduction <add>, %convert_element_type3A_15, %reduce_sum3A [1] : vector<416x4096xf32> to vector<416xf32>
    %broadcast_in_dim3A = vector.shape_cast %reduce_sum3A_16 : vector<416xf32> to vector<416x1xf32>
    %get3A_17 = arith.constant 0 : index
    %get3A_18 = arith.constant 0 : index
    %get3A_19 = vector.load %arg4[%get3A_17, %get3A_18] : memref<4096x128xbf16, #tpu.memory_space<vmem>>, vector<4096x128xbf16>
    %dot_general3A = arith.constant dense<0.000000e+00> : vector<416x128xf32>
    %dot_general3A_20 = tpu.matmul %convert_element_type3A_13, %get3A_19, %dot_general3A {dimension_numbers = #tpu.dot_dimension_numbers<[1], [0], [0], [1], [0, 0, 1, 1], [], []>, transpose_lhs_hint = false} : vector<416x4096xbf16>, vector<4096x128xbf16>, vector<416x128xf32> -> vector<416x128xf32>
    %add3A = arith.constant 9.99999971E-10 : f32
    %add3A_21 = vector.broadcast %add3A : f32 to vector<416x1xf32>
    %add3A_22 = arith.addf %broadcast_in_dim3A, %add3A_21 : vector<416x1xf32>
    %div3A = arith.constant 1.000000e+00 : f32
    %div3A_23 = vector.broadcast %div3A : f32 to vector<416x1xf32>
    %div3A_24 = arith.divf %div3A_23, %add3A_22 : vector<416x1xf32>
    %mul3A = vector.broadcast %div3A_24 : vector<416x1xf32> to vector<416x128xf32>
    %mul3A_25 = arith.mulf %dot_general3A_20, %mul3A : vector<416x128xf32>
    %get3A_26 = arith.constant 0 : index
    %get3A_27 = arith.constant 0 : index
    %get3A_28 = vector.load %arg5[%get3A_26, %get3A_27] : memref<416x128xf32, #tpu.memory_space<vmem>>, vector<416x128xf32>
    %get3A_29 = arith.constant 0 : index
    %get3A_30 = arith.constant 0 : index
    %get3A_31 = vector.load %arg6[%get3A_29, %get3A_30] : memref<384x128xf32, #tpu.memory_space<vmem>>, vector<384x128xf32>
    %dot_general3A_32 = arith.constant dense<0.000000e+00> : vector<416x384xf32>
    %dot_general3A_33 = tpu.matmul %mul3A_25, %get3A_31, %dot_general3A_32 {dimension_numbers = #tpu.dot_dimension_numbers<[1], [1], [0], [0], [0, 0, 1, 0], [], []>, transpose_lhs_hint = false} : vector<416x128xf32>, vector<384x128xf32>, vector<416x384xf32> -> vector<416x384xf32>
    %get3A_34 = arith.constant 0 : index
    %get3A_35 = arith.constant 0 : index
    %get3A_36 = vector.load %arg8[%get3A_34, %get3A_35] : memref<1x384xf32, #tpu.memory_space<vmem>>, vector<1x384xf32>
    %add3A_37 = vector.broadcast %get3A_36 : vector<1x384xf32> to vector<416x384xf32>
    %add3A_38 = arith.addf %dot_general3A_33, %add3A_37 : vector<416x384xf32>
    %get3A_39 = arith.constant 0 : index
    %get3A_40 = arith.constant 0 : index
    %get3A_41 = vector.load %arg7[%get3A_39, %get3A_40] : memref<384x128xf32, #tpu.memory_space<vmem>>, vector<384x128xf32>
    %dot_general3A_42 = arith.constant dense<0.000000e+00> : vector<416x384xf32>
    %dot_general3A_43 = tpu.matmul %get3A_28, %get3A_41, %dot_general3A_42 {dimension_numbers = #tpu.dot_dimension_numbers<[1], [1], [0], [0], [0, 0, 1, 0], [], []>, transpose_lhs_hint = false} : vector<416x128xf32>, vector<384x128xf32>, vector<416x384xf32> -> vector<416x384xf32>
    %get3A_44 = arith.constant 0 : index
    %get3A_45 = arith.constant 0 : index
    %get3A_46 = vector.load %arg9[%get3A_44, %get3A_45] : memref<1x384xf32, #tpu.memory_space<vmem>>, vector<1x384xf32>
    %add3A_47 = vector.broadcast %get3A_46 : vector<1x384xf32> to vector<416x384xf32>
    %add3A_48 = arith.addf %dot_general3A_43, %add3A_47 : vector<416x384xf32>
    %slice3A = vector.extract_strided_slice %add3A_38 {offsets = [0, 0], sizes = [416, 128], strides = [1, 1]} : vector<416x384xf32> to vector<416x128xf32>
    %slice3A_49 = vector.extract_strided_slice %add3A_48 {offsets = [0, 0], sizes = [416, 128], strides = [1, 1]} : vector<416x384xf32> to vector<416x128xf32>
    %add3A_50 = arith.addf %slice3A, %slice3A_49 : vector<416x128xf32>
    %logistic3A = arith.negf %add3A_50 : vector<416x128xf32>
    %logistic3A_51 = math.exp %logistic3A : vector<416x128xf32>
    %logistic3A_52 = arith.constant 1.000000e+00 : f32
    %logistic3A_53 = vector.broadcast %logistic3A_52 : f32 to vector<416x128xf32>
    %logistic3A_54 = arith.addf %logistic3A_53, %logistic3A_51 : vector<416x128xf32>
    %logistic3A_55 = arith.divf %logistic3A_53, %logistic3A_54 : vector<416x128xf32>
    %slice3A_56 = vector.extract_strided_slice %add3A_38 {offsets = [0, 128], sizes = [416, 128], strides = [1, 1]} : vector<416x384xf32> to vector<416x128xf32>
    %slice3A_57 = vector.extract_strided_slice %add3A_48 {offsets = [0, 128], sizes = [416, 128], strides = [1, 1]} : vector<416x384xf32> to vector<416x128xf32>
    %add3A_58 = arith.addf %slice3A_56, %slice3A_57 : vector<416x128xf32>
    %logistic3A_59 = arith.negf %add3A_58 : vector<416x128xf32>
    %logistic3A_60 = math.exp %logistic3A_59 : vector<416x128xf32>
    %logistic3A_61 = arith.constant 1.000000e+00 : f32
    %logistic3A_62 = vector.broadcast %logistic3A_61 : f32 to vector<416x128xf32>
    %logistic3A_63 = arith.addf %logistic3A_62, %logistic3A_60 : vector<416x128xf32>
    %logistic3A_64 = arith.divf %logistic3A_62, %logistic3A_63 : vector<416x128xf32>
    %slice3A_65 = vector.extract_strided_slice %add3A_38 {offsets = [0, 256], sizes = [416, 128], strides = [1, 1]} : vector<416x384xf32> to vector<416x128xf32>
    %slice3A_66 = vector.extract_strided_slice %add3A_48 {offsets = [0, 256], sizes = [416, 128], strides = [1, 1]} : vector<416x384xf32> to vector<416x128xf32>
    %mul3A_67 = arith.mulf %logistic3A_55, %slice3A_66 : vector<416x128xf32>
    %add3A_68 = arith.addf %slice3A_65, %mul3A_67 : vector<416x128xf32>
    %tanh3A = math.tanh %add3A_68 : vector<416x128xf32>
    %sub3A = arith.constant 1.000000e+00 : f32
    %sub3A_69 = vector.broadcast %sub3A : f32 to vector<416x128xf32>
    %sub3A_70 = arith.subf %sub3A_69, %logistic3A_64 : vector<416x128xf32>
    %mul3A_71 = arith.mulf %sub3A_70, %tanh3A : vector<416x128xf32>
    %mul3A_72 = arith.mulf %logistic3A_64, %get3A_28 : vector<416x128xf32>
    %add3A_73 = arith.addf %mul3A_71, %mul3A_72 : vector<416x128xf32>
    %mul3A_74 = arith.constant 5.000000e-01 : f32
    %mul3A_75 = vector.broadcast %mul3A_74 : f32 to vector<416x128xf32>
    %mul3A_76 = arith.mulf %get3A_28, %mul3A_75 : vector<416x128xf32>
    %mul3A_77 = arith.constant 5.000000e-01 : f32
    %mul3A_78 = vector.broadcast %mul3A_77 : f32 to vector<416x128xf32>
    %mul3A_79 = arith.mulf %add3A_73, %mul3A_78 : vector<416x128xf32>
    %add3A_80 = arith.addf %mul3A_76, %mul3A_79 : vector<416x128xf32>
    %swap3A_81 = arith.constant 0 : index
    %swap3A_82 = arith.constant 0 : index
    %swap3A_83 = vector.load %arg11[%swap3A_81, %swap3A_82] : memref<416x128xf32, #tpu.memory_space<vmem>>, vector<416x128xf32>
    tpu.vector_store %arg11[%swap3A_81, %swap3A_82], %add3A_80 {strides = array<i32>} : memref<416x128xf32, #tpu.memory_space<vmem>>, vector<416x128xf32>,
    return
  }
  func.func @transform_0(%arg0: i32) -> (i32, i32) {
    %c0_i32 = arith.constant 0 : i32
    %c0_i32_0 = arith.constant 0 : i32
    return %arg0, %c0_i32 : i32, i32
  }
  func.func @transform_1(%arg0: i32) -> (i32, i32) {
    %c0_i32 = arith.constant 0 : i32
    %c0_i32_0 = arith.constant 0 : i32
    return %arg0, %c0_i32 : i32, i32
  }
  func.func @transform_2(%arg0: i32) -> (i32, i32) {
    %c0_i32 = arith.constant 0 : i32
    %c0_i32_0 = arith.constant 0 : i32
    %c0_i32_1 = arith.constant 0 : i32
    return %c0_i32, %c0_i32_0 : i32, i32
  }
  func.func @transform_3(%arg0: i32) -> (i32, i32) {
    %c0_i32 = arith.constant 0 : i32
    %c0_i32_0 = arith.constant 0 : i32
    %c0_i32_1 = arith.constant 0 : i32
    return %c0_i32, %c0_i32_0 : i32, i32
  }
  func.func @transform_4(%arg0: i32) -> (i32, i32) {
    %c0_i32 = arith.constant 0 : i32
    %c0_i32_0 = arith.constant 0 : i32
    return %arg0, %c0_i32 : i32, i32
  }
  func.func @transform_5(%arg0: i32) -> (i32, i32) {
    %c0_i32 = arith.constant 0 : i32
    %c0_i32_0 = arith.constant 0 : i32
    %c0_i32_1 = arith.constant 0 : i32
    return %c0_i32, %c0_i32_0 : i32, i32
  }
  func.func @transform_6(%arg0: i32) -> (i32, i32) {
    %c0_i32 = arith.constant 0 : i32
    %c0_i32_0 = arith.constant 0 : i32
    %c0_i32_1 = arith.constant 0 : i32
    return %c0_i32, %c0_i32_0 : i32, i32
  }
  func.func @transform_7(%arg0: i32) -> (i32, i32) {
    %c0_i32 = arith.constant 0 : i32
    %c0_i32_0 = arith.constant 0 : i32
    %c0_i32_1 = arith.constant 0 : i32
    return %c0_i32, %c0_i32_0 : i32, i32
  }
  func.func @transform_8(%arg0: i32) -> (i32, i32) {
    %c0_i32 = arith.constant 0 : i32
    %c0_i32_0 = arith.constant 0 : i32
    %c0_i32_1 = arith.constant 0 : i32
    return %c0_i32, %c0_i32_0 : i32, i32
  }
  func.func @transform_9(%arg0: i32) -> (i32, i32) {
    %c0_i32 = arith.constant 0 : i32
    %c0_i32_0 = arith.constant 0 : i32
    return %arg0, %c0_i32 : i32, i32
  }
  func.func @transform_10(%arg0: i32) -> (i32, i32) {
    %c0_i32 = arith.constant 0 : i32
    %c0_i32_0 = arith.constant 0 : i32
    return %arg0, %c0_i32 : i32, i32
  }
}

</mosaic_0001>

<sc_bundles>
// kernel: kernel.5.cloned.1.call-start
scs
__scs_entry_jumppad:
0x0: {  	(pc) =	sbr.rel $0x88, $3  }
0x1: {  	(tag) =	ssettag $0x0;
	lr =	simm.s32 $0x1  }
0x2: {  	[smem:$0x3F99] =	sst lr;
	_ =	strace $0xD0000000  }
0x3: {  	_ = 	snop  }
0x4: {  	_ = 	snop  }
0x5: {  	_ = 	snop  }
0x6: {  	_ = 	snop  }
0x7: {  	_ = 	snop  }
__scs_overlays_trampoline_lowered:
0x8: {  	[smem:$0x3FA8] =	sst s0  }
0x9: {  	[smem:$0x3FA9] =	sst s1  }
0xa: {  	[smem:$0x3FAA] =	sst s2  }
0xb: {  	[smem:$0x3FAB] =	sst s3  }
0xc: {  	[smem:$0x3FAC] =	sst s4  }
0xd: {  	[smem:$0x3FAD] =	sst s5  }
0xe: {  	[smem:$0x3FAE] =	sst s6  }
0xf: {  	[smem:$0x3FAF] =	sst s7  }
0x10: {  	[smem:$0x3FB0] =	sst s8  }
0x11: {  	[smem:$0x3FB1] =	sst s9;
	s0 =	simm.s32 @!p0 $0x0  }
0x12: {  	s1 =	sld [smem:$0x3F97];
	s0 =	simm.s32 @p0 $0x1  }
0x13: {  	[smem:$0x3FB2] =	sst s0;
	s0 =	simm.s32 @!p1 $0x0  }
0x14: {  	s2 =	sld [smem:$0x3F96];
	s0 =	simm.s32 @p1 $0x1  }
0x15: {  	[smem:$0x3FB3] =	sst s0;
	s0 =	simm.s32 @!p2 $0x0  }
0x16: {  	s3 =	sld [smem:$0x3FDB];
	s0 =	simm.s32 @p2 $0x1  }
0x17: {  	s4 =	simm.s32 $0x1BF5;
	[smem:$0x3FB5] =	sst s0  }
0x18: {  	s0 =	sld [smem:$0x3F98];
	_ =	swait.ge [sflag:s4], $0x0  }
0x19: {  	s7 =	sld [smem:$0x3F99]  }
0x1a: {  	s8 =	sadd.s32 $0xFFFFE003, lr  }
0x1b: {  	s9 =	sadd.s32 $0xFFFFFEF7, lr;
	s5 =	simm.s32 $0xFFFFFFFF;
	p2 =	slt.u32 s8, $0xFFFFF086  }
0x1c: {  	p1 =	slt.u32 s9, $0xF7A;
	s5 =	simm.s32 @!p2 $0x0  }
0x1d: {  	s5 =	simm.s32 @p1 $0x1;
	p0 =	seq.s32 s7, s2  }
0x1e: {  	s7 =	smul.u32 @!p0 $0xF7A, s2;
	p2 =	seq.s32 @!p0 s5, $0x0  }
0x1f: {  	s9 =	smul.u32 $0xF7A, s1;
	s8 =	simm.s32 @!p0 $0x1BF5;
	p2 =	por !p2, p0  }
0x20: {  	[sflag:s8] =	ssyncset.s32 @!p0 $0xFFFFF086;
	s6 =	sadd.s32 @!p0 s3, s7;
	s7 =	simm.s32 @!p0 $0x108  }
0x21: {  	s3 =	sadd.s32 s3, s9;
	s6 =	sadd.s32 @!p0 $0x88, s6;
	s7 =	simm.s32 @p2 $0x1082  }
0x22: {  	[simem:s7], [sflag:s8] =	dma.local @!p0 [hbm:s6], $0xF7A  }
0x23: {  	s9 =	sor.u32 $0xD0000000, s2;
	s6 =	simm.s32 $0x108;
	_ =	swait.ge @!p0 [sflag:s8], $0x0  }
0x24: {  	s3 =	sadd.s32 $0x88, s3;
	s6 =	simm.s32 @!p1 $0x1082;
	[sflag:s4] =	ssyncset.s32 $0xFFFFF086  }
0x25: {  	[simem:s6], [sflag:s4] =	dma.local [hbm:s3], $0xF7A  }
0x26: {  	[smem:$0x3F99] =	sst s1;
	(tag) =	ssettag s2;
	_ =	strace s9  }
0x27: {  	s1 =	sld [smem:$0x3FA9]  }
0x28: {  	s2 =	sld [smem:$0x3FAA]  }
0x29: {  	s4 =	sld [smem:$0x3FAC]  }
0x2a: {  	p0 =	seq.s32 s5, $0x0;
	s5 =	sld [smem:$0x3FAD]  }
0x2b: {  	s6 =	sld [smem:$0x3FAE]  }
0x2c: {  	s7 =	sld [smem:$0x3FAF]  }
0x2d: {  	s3 =	simm.s32 $0x108;
	s8 =	sld [smem:$0x3FB0]  }
0x2e: {  	s3 =	simm.s32 @!p0 $0x1082;
	s9 =	sld [smem:$0x3FB1]  }
0x2f: {  	lr =	sadd.s32 s0, s3;
	s0 =	sld [smem:$0x3FA8]  }
0x30: {  	s3 =	sld [smem:$0x3FAB]  }
0x31: {  	[smem:$0x3FB4] =	sst s10  }
0x32: {  	s10 =	sld [smem:$0x3FB2];
	_ =	sdelay $0x3  }
0x33: {  	p0 =	seq.s32 s10, $0x1;
	s10 =	sld [smem:$0x3FB4];
	_ =	sdelay $0x3  }
0x34: {  	[smem:$0x3FB4] =	sst s10  }
0x35: {  	s10 =	sld [smem:$0x3FB3];
	_ =	sdelay $0x3  }
0x36: {  	p1 =	seq.s32 s10, $0x1;
	s10 =	sld [smem:$0x3FB4];
	_ =	sdelay $0x3  }
0x37: {  	[smem:$0x3FB4] =	sst s10  }
0x38: {  	s10 =	sld [smem:$0x3FB5]  }
0x39: {  	_ = 	snop;
	(pc) =	sbr.ind lr, $3  }
0x3a: {  	_ = 	snop  }
0x3b: {  	_ = 	snop  }
0x3c: {  	p2 =	seq.s32 s10, $0x1;
	s10 =	sld [smem:$0x3FB4]  }
0x3d: {  	_ =	shalt  }
0x3e: {  	_ =	shalt  }
0x3f: {  	_ =	shalt  }
0x40: {  	_ =	shalt  }
0x41: {  	_ =	shalt  }
0x42: {  	_ =	shalt  }
0x43: {  	_ =	shalt  }
0x44: {  	_ =	shalt  }
0x45: {  	_ =	shalt  }
0x46: {  	_ =	shalt  }
0x47: {  	_ =	shalt  }
0x48: {  	_ =	shalt  }
0x49: {  	_ =	shalt  }
0x4a: {  	_ =	shalt  }
0x4b: {  	_ =	shalt  }
0x4c: {  	_ =	shalt  }
0x4d: {  	_ =	shalt  }
0x4e: {  	_ =	shalt  }
0x4f: {  	_ =	shalt  }
0x50: {  	_ =	shalt  }
0x51: {  	_ =	shalt  }
0x52: {  	_ =	shalt  }
0x53: {  	_ =	shalt  }
0x54: {  	_ =	shalt  }
0x55: {  	_ =	shalt  }
0x56: {  	_ =	shalt  }
0x57: {  	_ =	shalt  }
0x58: {  	_ =	shalt  }
0x59: {  	_ =	shalt  }
0x5a: {  	_ =	shalt  }
0x5b: {  	_ =	shalt  }
0x5c: {  	_ =	shalt  }
0x5d: {  	_ =	shalt  }
0x5e: {  	_ =	shalt  }
0x5f: {  	_ =	shalt  }
0x60: {  	_ =	shalt  }
0x61: {  	_ =	shalt  }
0x62: {  	_ =	shalt  }
0x63: {  	_ =	shalt  }
0x64: {  	_ =	shalt  }
0x65: {  	_ =	shalt  }
0x66: {  	_ =	shalt  }
0x67: {  	_ =	shalt  }
0x68: {  	_ =	shalt  }
0x69: {  	_ =	shalt  }
0x6a: {  	_ =	shalt  }
0x6b: {  	_ =	shalt  }
0x6c: {  	_ =	shalt  }
0x6d: {  	_ =	shalt  }
0x6e: {  	_ =	shalt  }
0x6f: {  	_ =	shalt  }
0x70: {  	_ =	shalt  }
0x71: {  	_ =	shalt  }
0x72: {  	_ =	shalt  }
0x73: {  	_ =	shalt  }
0x74: {  	_ =	shalt  }
0x75: {  	_ =	shalt  }
0x76: {  	_ =	shalt  }
0x77: {  	_ =	shalt  }
0x78: {  	_ =	shalt  }
0x79: {  	_ =	shalt  }
0x7a: {  	_ =	shalt  }
0x7b: {  	_ =	shalt  }
0x7c: {  	_ =	shalt  }
0x7d: {  	_ =	shalt  }
0x7e: {  	_ =	shalt  }
0x7f: {  	_ =	shalt  }
0x80: {  	_ =	shalt  }
0x81: {  	_ =	shalt  }
0x82: {  	_ =	shalt  }
0x83: {  	_ =	shalt  }
0x84: {  	_ =	shalt  }
0x85: {  	_ =	shalt  }
0x86: {  	_ =	shalt  }
0x87: {  	_ =	shalt  }
.Lfunc_end0:
.L_simem_size_0:
called_computation_lowered:
.L_overlay_start_0:
0x88: {  	s2 =	sld [smem:$0x3FD9]  }
0x89: {  	s3 =	sld [smem:$0x3FFE];
	_ =	sdelay $0x1  }
0x8a: {  	s1 =	srdreg.scid  }
0x8b: {  	s0 =	sand.u32 $0x1, s1  }
0x8c: {  	s18 =	sshll.u32 s0, $0xA;
	s2 =	sadd.s32 s3, s2  }
0x8d: {  	s2 =	sadd.s32 s2, s18  }
0x8e: {  	[smem:$0x3FC0] =	sst s2  }
0x8f: {  	_ = 	snop  }
0x90: {  	s2 =	sld [smem:$0x3FC7]  }
0x91: {  	s19 =	sld [smem:$0x3FC6]  }
0x92: {  	s4 =	sld [smem:$0x3FD0];
	(tm) =	ssettm $0x1  }
0x93: {  	s5 =	sld [smem:$0x3FFB];
	_ =	sdelay $0x3  }
0x94: {  	_ =	strace s5  }
0x95: {  	s5 =	sld [smem:$0x3FFC];
	_ =	sdelay $0x3  }
0x96: {  	_ =	strace s5  }
0x97: {  	s5 =	sld [smem:$0x3FFD];
	_ =	sdelay $0x3  }
0x98: {  	_ =	strace s5  }
0x99: {  	_ =	strace $0x8FFFFFFF  }
0x9a: {  	s20 =	sld [smem:$0x3FDB];
	_ =	sdelay $0x1  }
0x9b: {  	s6 =	simm.s32 $_scs_section_size  }
0x9c: {  	s7 =	simm.s32 $_size__tile_overlayer_lowered;
	s8 =	simm.s32 $_tile_overlayer_lowered  }
0x9d: {  	s23 =	simm.s32 $0x1BFF;
	s22 =	sshll.u32 s8, $0x1;
	s5 =	sadd.s32 s6, s20  }
0x9e: {  	s9 =	simm.s32 $0x0;
	s21 =	sshll.u32 s7, $0x1;
	s7 =	sadd.s32 s22, s5  }
0x9f: {  	[timem:s9], [sflag:s23] =	dma.local [hbm:s7], s21  }
0xa0: {  	_ =	swait.ge [sflag:s23], s21  }
0xa1: {  	s6 =	ssub.s32 $0x0, s21;
	[sflag:s23] =	ssyncset.done $0x0  }
0xa2: {  	[sflag:s23] =	ssyncadd.s32 s6;
	_ =	sdelay $0x1  }
0xa3: {  	s24 =	simm.s32 $0x1B8B  }
0xa4: {  	_ =	swait.ge [sflag:s24], $0x1  }
0xa5: {  	[sflag:s24] =	ssyncset.done $0x0  }
0xa6: {  	s25 =	simm.s32 $0x1B8E;
	[sflag:s24] =	ssyncadd.s32 $0xFFFFFFFF  }
0xa7: {  	s26 =	simm.s32 $execute0_lowered;
	[smem:$0x3FD2] =	sst s25  }
0xa8: {  	s6 =	sshll.u32 s26, $0x1;
	_ =	strace $0x80000046;
	[dreg:$0x1] =	wrdreg $0xFFFFFFFF  }
0xa9: {  	s28 =	simm.s32 $_size_execute0_lowered;
	s5 =	sadd.s32 s5, s6;
	[dreg:$0x0] =	wrdreg $0x0  }
0xaa: {  	s6 =	sshll.u32 s28, $0x1;
	[dreg:$0x2] =	wrdreg s5  }
0xab: {  	[dreg:$0x3] =	wrdreg s6  }
0xac: {  	[dreg:$0x4] =	wrdreg $0xC0  }
0xad: {  	_ =	task [dreg:s9], $0x5FFFF  }
0xae: {  	[dreg:$0x1] =	wrdreg $0xFFFFFFFF  }
0xaf: {  	[dreg:$0x0] =	wrdreg $0x60  }
0xb0: {  	[dreg:$0x2] =	wrdreg s19  }
0xb1: {  	[dreg:$0x3] =	wrdreg s2  }
0xb2: {  	[dreg:$0x4] =	wrdreg s4  }
0xb3: {  	[dreg:$0x5] =	wrdreg $0x9  }
0xb4: {  	_ =	task.clear_ibuf [dreg:s9], $0x6FFFF;
	_ =	strace $0x90000046  }
0xb5: {  	s29 =	simm.s32 $0x9;
	_ =	strace $0x80000048  }
0xb6: {  	_ =	swait.ge [sflag:s29], $0x1  }
0xb7: {  	[sflag:s29] =	ssyncadd.s32 $0xFFFFFFFF  }
0xb8: {  	_ =	strace $0x90000048  }
0xb9: {  	_ =	sfence  }
0xba: {  	s30 =	sld [smem:$0x0];
	_ =	sdelay $0x2  }
0xbb: {  	s31 =	sshll.u32 s1, $0xD;
	s1 =	sshrl.u32 s1, $0x2  }
0xbc: {  	s3 =	sand.u32 $0x4000, s31;
	s1 =	sadd.s32 s1, s30  }
0xbd: {  	s0 =	sor.u32 s3, s0;
	s1 =	sshll.u32 s1, $0x11  }
0xbe: {  	s0 =	sor.u32 s1, s0  }
0xbf: {  	s0 =	sadd.s32 $0x8F2B, s0  }
0xc0: {  	[sflag:s0] =	ssyncadd.remote.s32 $0x1  }
0xc1: {  	_ =	sfence.sel $0xFFFF  }
0xc2: {  	[dreg:$0x0] =	wrdreg $0xFFFFFFFF;
	(pc) =	sbr.abs _section_cstart, $3  }
0xc3: {  	[dreg:$0x1] =	wrdreg $0xFFFFFFFF  }
0xc4: {  	_ =	task.clear_ibuf [dreg:s9], $0x2FFFF;
	_ =	strace $0x9FFFFFFF  }
0xc5: {  	(tm) =	ssettm $0x7FFFFFFF  }
tec
execute0_lowered:
.L_overlay_start_1:
0x0: {  	(tag) =	ssettag $0x1  }
0x1: {  	s1 =	rddreg [dreg:$0x0]  }
0x2: {  	s2 =	srdreg.scid;
	s4 =	rddreg [dreg:$0x1]  }
0x3: {  	s0 =	stileid.u32;
	s8 =	rddreg [dreg:$0x2];
	s6 =	sand.u32 $0x1, s2  }
0x4: {  	s3 =	simm.s32 $0x0;
	s5 =	sshll.u32 s0, $0x8;
	s7 =	sshll.u32 s6, $0x7  }
0x5: {  	[smem:$0x7FF] =	sst s3;
	s9 =	sor.u32 s7, s5  }
0x6: {  	s2 =	rddreg [dreg:$0x3];
	_ =	strace $0x80000047;
	s5 =	sshrl.u32 s9, $0x3  }
0x7: {  	s10 =	ssub.s32 $0x2, s6;
	s5 =	sadd.s32 s4, s5;
	s4 =	simm.s32 $0x2  }
0x8: {  	[tilespmem:s3], [sflag:$0x2] =	stream.linear.gather [hbm4b:s5+s3], $0x80, $0x38;
	[tilespmem:$0x4080] =	vst v63  }
0x9: {  	s11 =	sshrl.u32 s10, $0x1;
	_ =	swait.ge [sflag:s4], $0x80  }
0xa: {  	s6 =	simm.s32 $0x80;
	s10 =	ssub.s32 s10, s11;
	[sflag:s4] =	ssyncset.done $0x0  }
0xb: {  	s7 =	simm.s32 $0x1;
	s31 =	smax.u32 s10, $0x1;
	[sflag:s4] =	ssyncadd.s32 $0xFFFFFF80  }
0xc: {  	[tilespmem:s6], [sflag:$0x1] =	stream.indirect.gather [hbm4b:s1+s6], $0x80, s3, s6, $0xb8;
	[tilespmem:$0x4080] =	vst v63  }
0xd: {  	p0 =	sne.s32 s31, $0x1;
	_ =	swait.ge [sflag:s7], $0x4000  }
.Ltmp0:
0xe: {  	s9 =	sshll.u32 s9, $0x4;
	[sflag:s7] =	ssyncset.done $0x0;
	(pc) =	sbr.rel @!p0 .LBB2_2-.Ltmp0, $4  }
0xf: {  	s8 =	sadd.s32 s8, s9;
	[sflag:s7] =	ssyncadd.s32 $0xFFFFC000  }
0x10: {  	[hbm4b:s8+s3] =	stream.linear.scatter [tilespmem:s6], [sflag:$0x2], $0x4000, $0x38;
	[tilespmem:$0x4080] =	vst v63  }
0x11: {  	_ =	swait.ge [sflag:s4], $0x4000  }
0x12: {  	s9 =	sadd.s32 $0xFFFFFFFF, s31;
	[sflag:s4] =	ssyncset.done $0x0  }
.LBB2_1:
0x13: {  	p0 =	sne.s32 s9, $0x1;
	s9 =	sadd.s32 $0xFFFFFFFF, s9;
	[sflag:s4] =	ssyncadd.s32 $0xFFFFC000  }
0x14: {  	[tilespmem:s3], [sflag:$0x2] =	stream.linear.gather [hbm4b:s5+s3], $0x80, $0x38;
	[tilespmem:$0x4080] =	vst v63  }
0x15: {  	_ =	swait.ge [sflag:s4], $0x80  }
0x16: {  	[sflag:s4] =	ssyncset.done $0x0  }
0x17: {  	[sflag:s4] =	ssyncadd.s32 $0xFFFFFF80  }
0x18: {  	[tilespmem:s6], [sflag:$0x1] =	stream.indirect.gather [hbm4b:s1+s6], $0x80, s3, s6, $0xb8;
	[tilespmem:$0x4080] =	vst v63  }
0x19: {  	_ =	swait.ge [sflag:s7], $0x4000  }
.Ltmp1:
0x1a: {  	[sflag:s7] =	ssyncset.done $0x0;
	(pc) =	sbr.rel @p0 .LBB2_1-.Ltmp1, $4  }
0x1b: {  	[sflag:s7] =	ssyncadd.s32 $0xFFFFC000  }
0x1c: {  	[hbm4b:s8+s3] =	stream.linear.scatter [tilespmem:s6], [sflag:$0x2], $0x4000, $0x38;
	[tilespmem:$0x4080] =	vst v63  }
0x1d: {  	_ =	swait.ge [sflag:s4], $0x4000  }
0x1e: {  	[sflag:s4] =	ssyncset.done $0x0  }
.LBB2_2:
0x1f: {  	[sflag:s4] =	ssyncadd.s32 $0xFFFFC000  }
0x20: {  	_ =	sfence.sel $0x180000  }
0x21: {  	[bflag:$0x0] =	sbarrier.arrive $0xFFFF  }
0x22: {  	p0 =	sne.s32 s0, $0x0;
	_ =	strace $0x90000047  }
0x23: {  	s0 =	sadd.s32 @!p0 $0x100000, s2;
	[bflag:$0x2] =	sbarrier.arrive $0xFFFF  }
0x24: {  	[sflag:s0] =	ssyncadd.tile.s32 @!p0 $0x1;
	_ =	shalt  }
.Lfunc_end2:
_tile_overlayer_lowered:
.L_overlay_start_2:
0x25: {  	(tag) =	ssettag $0x2  }
0x26: {  	s0 =	rddreg [dreg:$0x0];
	s2 =	stileid.u32  }
0x27: {  	s1 =	rddreg [dreg:$0x1];
	p0 =	sne.s32 s2, $0x0  }
0x28: {  	s3 =	rddreg [dreg:$0x2];
	[bflag:$0x3] =	sbarrier.arrive $0xFFFF;
	s2 =	simm.s32 @!p0 $0x1C02  }
0x29: {  	[timem:s3], [sflag:s2] =	dma.local @!p0 [hbm:s0], s1  }
0x2a: {  	s0 =	simm.s32 @!p0 $0x2  }
0x2b: {  	_ =	swait.ge @!p0 [sflag:s0], s1  }
0x2c: {  	s1 =	ssub.s32 @!p0 $0x0, s1;
	[sflag:s0] =	ssyncset.done @!p0 $0x0  }
0x2d: {  	[sflag:s0] =	ssyncadd.s32 @!p0 s1  }
0x2e: {  	[bflag:$0x3] =	sbarrier.arrive $0xFFFF  }
0x2f: {  	_ =	shalt  }

// kernel: kernel.8.cloned.1.call-start
scs
__scs_entry_jumppad:
0x0: {  	(pc) =	sbr.rel $0x88, $3  }
0x1: {  	(tag) =	ssettag $0x0;
	lr =	simm.s32 $0x1  }
0x2: {  	[smem:$0x3F99] =	sst lr;
	_ =	strace $0xD0000000  }
0x3: {  	_ = 	snop  }
0x4: {  	_ = 	snop  }
0x5: {  	_ = 	snop  }
0x6: {  	_ = 	snop  }
0x7: {  	_ = 	snop  }
__scs_overlays_trampoline_lowered:
0x8: {  	[smem:$0x3FA8] =	sst s0  }
0x9: {  	[smem:$0x3FA9] =	sst s1  }
0xa: {  	[smem:$0x3FAA] =	sst s2  }
0xb: {  	[smem:$0x3FAB] =	sst s3  }
0xc: {  	[smem:$0x3FAC] =	sst s4  }
0xd: {  	[smem:$0x3FAD] =	sst s5  }
0xe: {  	[smem:$0x3FAE] =	sst s6  }
0xf: {  	[smem:$0x3FAF] =	sst s7  }
0x10: {  	[smem:$0x3FB0] =	sst s8  }
0x11: {  	[smem:$0x3FB1] =	sst s9;
	s0 =	simm.s32 @!p0 $0x0  }
0x12: {  	s1 =	sld [smem:$0x3F97];
	s0 =	simm.s32 @p0 $0x1  }
0x13: {  	[smem:$0x3FB2] =	sst s0;
	s0 =	simm.s32 @!p1 $0x0  }
0x14: {  	s2 =	sld [smem:$0x3F96];
	s0 =	simm.s32 @p1 $0x1  }
0x15: {  	[smem:$0x3FB3] =	sst s0;
	s0 =	simm.s32 @!p2 $0x0  }
0x16: {  	s3 =	sld [smem:$0x3FDB];
	s0 =	simm.s32 @p2 $0x1  }
0x17: {  	s4 =	simm.s32 $0x1BF5;
	[smem:$0x3FB5] =	sst s0  }
0x18: {  	s0 =	sld [smem:$0x3F98];
	_ =	swait.ge [sflag:s4], $0x0  }
0x19: {  	s7 =	sld [smem:$0x3F99]  }
0x1a: {  	s8 =	sadd.s32 $0xFFFFE003, lr  }
0x1b: {  	s9 =	sadd.s32 $0xFFFFFEF7, lr;
	s5 =	simm.s32 $0xFFFFFFFF;
	p2 =	slt.u32 s8, $0xFFFFF086  }
0x1c: {  	p1 =	slt.u32 s9, $0xF7A;
	s5 =	simm.s32 @!p2 $0x0  }
0x1d: {  	s5 =	simm.s32 @p1 $0x1;
	p0 =	seq.s32 s7, s2  }
0x1e: {  	s7 =	smul.u32 @!p0 $0xF7A, s2;
	p2 =	seq.s32 @!p0 s5, $0x0  }
0x1f: {  	s9 =	smul.u32 $0xF7A, s1;
	s8 =	simm.s32 @!p0 $0x1BF5;
	p2 =	por !p2, p0  }
0x20: {  	[sflag:s8] =	ssyncset.s32 @!p0 $0xFFFFF086;
	s6 =	sadd.s32 @!p0 s3, s7;
	s7 =	simm.s32 @!p0 $0x108  }
0x21: {  	s3 =	sadd.s32 s3, s9;
	s6 =	sadd.s32 @!p0 $0x88, s6;
	s7 =	simm.s32 @p2 $0x1082  }
0x22: {  	[simem:s7], [sflag:s8] =	dma.local @!p0 [hbm:s6], $0xF7A  }
0x23: {  	s9 =	sor.u32 $0xD0000000, s2;
	s6 =	simm.s32 $0x108;
	_ =	swait.ge @!p0 [sflag:s8], $0x0  }
0x24: {  	s3 =	sadd.s32 $0x88, s3;
	s6 =	simm.s32 @!p1 $0x1082;
	[sflag:s4] =	ssyncset.s32 $0xFFFFF086  }
0x25: {  	[simem:s6], [sflag:s4] =	dma.local [hbm:s3], $0xF7A  }
0x26: {  	[smem:$0x3F99] =	sst s1;
	(tag) =	ssettag s2;
	_ =	strace s9  }
0x27: {  	s1 =	sld [smem:$0x3FA9]  }
0x28: {  	s2 =	sld [smem:$0x3FAA]  }
0x29: {  	s4 =	sld [smem:$0x3FAC]  }
0x2a: {  	p0 =	seq.s32 s5, $0x0;
	s5 =	sld [smem:$0x3FAD]  }
0x2b: {  	s6 =	sld [smem:$0x3FAE]  }
0x2c: {  	s7 =	sld [smem:$0x3FAF]  }
0x2d: {  	s3 =	simm.s32 $0x108;
	s8 =	sld [smem:$0x3FB0]  }
0x2e: {  	s3 =	simm.s32 @!p0 $0x1082;
	s9 =	sld [smem:$0x3FB1]  }
0x2f: {  	lr =	sadd.s32 s0, s3;
	s0 =	sld [smem:$0x3FA8]  }
0x30: {  	s3 =	sld [smem:$0x3FAB]  }
0x31: {  	[smem:$0x3FB4] =	sst s10  }
0x32: {  	s10 =	sld [smem:$0x3FB2];
	_ =	sdelay $0x3  }
0x33: {  	p0 =	seq.s32 s10, $0x1;
	s10 =	sld [smem:$0x3FB4];
	_ =	sdelay $0x3  }
0x34: {  	[smem:$0x3FB4] =	sst s10  }
0x35: {  	s10 =	sld [smem:$0x3FB3];
	_ =	sdelay $0x3  }
0x36: {  	p1 =	seq.s32 s10, $0x1;
	s10 =	sld [smem:$0x3FB4];
	_ =	sdelay $0x3  }
0x37: {  	[smem:$0x3FB4] =	sst s10  }
0x38: {  	s10 =	sld [smem:$0x3FB5]  }
0x39: {  	_ = 	snop;
	(pc) =	sbr.ind lr, $3  }
0x3a: {  	_ = 	snop  }
0x3b: {  	_ = 	snop  }
0x3c: {  	p2 =	seq.s32 s10, $0x1;
	s10 =	sld [smem:$0x3FB4]  }
0x3d: {  	_ =	shalt  }
0x3e: {  	_ =	shalt  }
0x3f: {  	_ =	shalt  }
0x40: {  	_ =	shalt  }
0x41: {  	_ =	shalt  }
0x42: {  	_ =	shalt  }
0x43: {  	_ =	shalt  }
0x44: {  	_ =	shalt  }
0x45: {  	_ =	shalt  }
0x46: {  	_ =	shalt  }
0x47: {  	_ =	shalt  }
0x48: {  	_ =	shalt  }
0x49: {  	_ =	shalt  }
0x4a: {  	_ =	shalt  }
0x4b: {  	_ =	shalt  }
0x4c: {  	_ =	shalt  }
0x4d: {  	_ =	shalt  }
0x4e: {  	_ =	shalt  }
0x4f: {  	_ =	shalt  }
0x50: {  	_ =	shalt  }
0x51: {  	_ =	shalt  }
0x52: {  	_ =	shalt  }
0x53: {  	_ =	shalt  }
0x54: {  	_ =	shalt  }
0x55: {  	_ =	shalt  }
0x56: {  	_ =	shalt  }
0x57: {  	_ =	shalt  }
0x58: {  	_ =	shalt  }
0x59: {  	_ =	shalt  }
0x5a: {  	_ =	shalt  }
0x5b: {  	_ =	shalt  }
0x5c: {  	_ =	shalt  }
0x5d: {  	_ =	shalt  }
0x5e: {  	_ =	shalt  }
0x5f: {  	_ =	shalt  }
0x60: {  	_ =	shalt  }
0x61: {  	_ =	shalt  }
0x62: {  	_ =	shalt  }
0x63: {  	_ =	shalt  }
0x64: {  	_ =	shalt  }
0x65: {  	_ =	shalt  }
0x66: {  	_ =	shalt  }
0x67: {  	_ =	shalt  }
0x68: {  	_ =	shalt  }
0x69: {  	_ =	shalt  }
0x6a: {  	_ =	shalt  }
0x6b: {  	_ =	shalt  }
0x6c: {  	_ =	shalt  }
0x6d: {  	_ =	shalt  }
0x6e: {  	_ =	shalt  }
0x6f: {  	_ =	shalt  }
0x70: {  	_ =	shalt  }
0x71: {  	_ =	shalt  }
0x72: {  	_ =	shalt  }
0x73: {  	_ =	shalt  }
0x74: {  	_ =	shalt  }
0x75: {  	_ =	shalt  }
0x76: {  	_ =	shalt  }
0x77: {  	_ =	shalt  }
0x78: {  	_ =	shalt  }
0x79: {  	_ =	shalt  }
0x7a: {  	_ =	shalt  }
0x7b: {  	_ =	shalt  }
0x7c: {  	_ =	shalt  }
0x7d: {  	_ =	shalt  }
0x7e: {  	_ =	shalt  }
0x7f: {  	_ =	shalt  }
0x80: {  	_ =	shalt  }
0x81: {  	_ =	shalt  }
0x82: {  	_ =	shalt  }
0x83: {  	_ =	shalt  }
0x84: {  	_ =	shalt  }
0x85: {  	_ =	shalt  }
0x86: {  	_ =	shalt  }
0x87: {  	_ =	shalt  }
.Lfunc_end0:
.L_simem_size_0:
called_computation.1_lowered:
.L_overlay_start_0:
0x88: {  	s2 =	sld [smem:$0x3FD9]  }
0x89: {  	s3 =	sld [smem:$0x3FFE];
	_ =	sdelay $0x1  }
0x8a: {  	s1 =	srdreg.scid  }
0x8b: {  	s0 =	sand.u32 $0x1, s1  }
0x8c: {  	s17 =	sshll.u32 s0, $0xA;
	s2 =	sadd.s32 s3, s2  }
0x8d: {  	s2 =	sadd.s32 s2, s17  }
0x8e: {  	[smem:$0x3FC0] =	sst s2  }
0x8f: {  	_ = 	snop  }
0x90: {  	s2 =	sld [smem:$0x3FC7]  }
0x91: {  	s18 =	sld [smem:$0x3FD0];
	(tm) =	ssettm $0x1  }
0x92: {  	s4 =	sld [smem:$0x3FFB];
	_ =	sdelay $0x3  }
0x93: {  	_ =	strace s4  }
0x94: {  	s4 =	sld [smem:$0x3FFC];
	_ =	sdelay $0x3  }
0x95: {  	_ =	strace s4  }
0x96: {  	s4 =	sld [smem:$0x3FFD];
	_ =	sdelay $0x3  }
0x97: {  	_ =	strace s4  }
0x98: {  	_ =	strace $0x8FFFFFFF  }
0x99: {  	s19 =	sld [smem:$0x3FDB];
	_ =	sdelay $0x1  }
0x9a: {  	s5 =	simm.s32 $_scs_section_size  }
0x9b: {  	s6 =	simm.s32 $_size__tile_overlayer_lowered;
	s7 =	simm.s32 $_tile_overlayer_lowered  }
0x9c: {  	s22 =	simm.s32 $0x1BFF;
	s21 =	sshll.u32 s7, $0x1;
	s4 =	sadd.s32 s5, s19  }
0x9d: {  	s8 =	simm.s32 $0x0;
	s20 =	sshll.u32 s6, $0x1;
	s6 =	sadd.s32 s21, s4  }
0x9e: {  	[timem:s8], [sflag:s22] =	dma.local [hbm:s6], s20  }
0x9f: {  	_ =	swait.ge [sflag:s22], s20  }
0xa0: {  	s5 =	ssub.s32 $0x0, s20;
	[sflag:s22] =	ssyncset.done $0x0  }
0xa1: {  	[sflag:s22] =	ssyncadd.s32 s5;
	_ =	sdelay $0x1  }
0xa2: {  	s23 =	simm.s32 $0x1B8B  }
0xa3: {  	_ =	swait.ge [sflag:s23], $0x1  }
0xa4: {  	[sflag:s23] =	ssyncset.done $0x0  }
0xa5: {  	s25 =	simm.s32 $0x1B8E;
	s24 =	sld [smem:$0x3FFE];
	[sflag:s23] =	ssyncadd.s32 $0xFFFFFFFF  }
0xa6: {  	s26 =	simm.s32 $execute0_lowered;
	[smem:$0x3FD2] =	sst s25  }
0xa7: {  	s6 =	sshll.u32 s26, $0x1;
	_ =	strace $0x80000049;
	[dreg:$0x1] =	wrdreg $0xFFFFFFFF  }
0xa8: {  	s28 =	simm.s32 $_size_execute0_lowered;
	s4 =	sadd.s32 s4, s6;
	[dreg:$0x0] =	wrdreg $0x0  }
0xa9: {  	s6 =	sshll.u32 s28, $0x1;
	[dreg:$0x2] =	wrdreg s4  }
0xaa: {  	[dreg:$0x3] =	wrdreg s6  }
0xab: {  	[dreg:$0x4] =	wrdreg $0xC0  }
0xac: {  	_ =	task [dreg:s8], $0x5FFFF  }
0xad: {  	[dreg:$0x1] =	wrdreg $0xFFFFFFFF  }
0xae: {  	[dreg:$0x0] =	wrdreg $0x60  }
0xaf: {  	[dreg:$0x2] =	wrdreg s18  }
0xb0: {  	[dreg:$0x3] =	wrdreg s24  }
0xb1: {  	[dreg:$0x4] =	wrdreg s2  }
0xb2: {  	[dreg:$0x5] =	wrdreg $0x9  }
0xb3: {  	_ =	task.clear_ibuf [dreg:s8], $0x6FFFF;
	_ =	strace $0x90000049  }
0xb4: {  	s29 =	simm.s32 $0x9;
	_ =	strace $0x8000004B  }
0xb5: {  	_ =	swait.ge [sflag:s29], $0x1  }
0xb6: {  	[sflag:s29] =	ssyncadd.s32 $0xFFFFFFFF  }
0xb7: {  	_ =	strace $0x9000004B  }
0xb8: {  	_ =	sfence  }
0xb9: {  	s30 =	sld [smem:$0x0];
	_ =	sdelay $0x2  }
0xba: {  	s31 =	sshll.u32 s1, $0xD;
	s1 =	sshrl.u32 s1, $0x2  }
0xbb: {  	s3 =	sand.u32 $0x4000, s31;
	s1 =	sadd.s32 s1, s30  }
0xbc: {  	s0 =	sor.u32 s3, s0;
	s1 =	sshll.u32 s1, $0x11  }
0xbd: {  	s0 =	sor.u32 s1, s0  }
0xbe: {  	s0 =	sadd.s32 $0x8F2B, s0  }
0xbf: {  	[sflag:s0] =	ssyncadd.remote.s32 $0x1  }
0xc0: {  	_ =	sfence.sel $0xFFFF  }
0xc1: {  	[dreg:$0x0] =	wrdreg $0xFFFFFFFF;
	(pc) =	sbr.abs _section_cstart, $3  }
0xc2: {  	[dreg:$0x1] =	wrdreg $0xFFFFFFFF  }
0xc3: {  	_ =	task.clear_ibuf [dreg:s8], $0x2FFFF;
	_ =	strace $0x9FFFFFFF  }
0xc4: {  	(tm) =	ssettm $0x7FFFFFFF  }
0xc5: {  	_ =	shalt  }
tec
execute0_lowered:
.L_overlay_start_1:
0x0: {  	(tag) =	ssettag $0x1  }
0x1: {  	s1 =	rddreg [dreg:$0x0];
	s2 =	srdreg.scid  }
0x2: {  	s6 =	rddreg [dreg:$0x1];
	s0 =	stileid.u32  }
0x3: {  	s4 =	rddreg [dreg:$0x2];
	s3 =	simm.s32 $0x0;
	s7 =	sand.u32 $0x1, s2  }
0x4: {  	s5 =	sshll.u32 s0, $0x8;
	s2 =	rddreg [dreg:$0x3];
	s8 =	sshll.u32 s7, $0x7  }
0x5: {  	[smem:$0x7FF] =	sst s3;
	s8 =	sor.u32 s8, s5  }
0x6: {  	_ =	strace $0x8000004A;
	s31 =	ssub.s32 $0x2, s7;
	s5 =	sshrl.u32 s8, $0x3  }
0x7: {  	s7 =	simm.s32 $0x80;
	s4 =	sadd.s32 s4, s5;
	s5 =	simm.s32 $0x2  }
0x8: {  	[tilespmem:s3], [sflag:$0x2] =	stream.linear.gather [hbm4b:s4+s3], $0x80, $0x38;
	[tilespmem:$0x4080] =	vst v63  }
0x9: {  	s9 =	sshrl.u32 s31, $0x1;
	s8 =	sshll.u32 s8, $0x4;
	_ =	swait.ge [sflag:s5], $0x80  }
0xa: {  	s6 =	sadd.s32 s8, s6;
	s8 =	ssub.s32 s31, s9;
	[sflag:s5] =	ssyncset.done $0x0  }
0xb: {  	s6 =	sadd.s32 $0x1C00, s6;
	s9 =	smax.u32 s8, $0x1;
	[sflag:s5] =	ssyncadd.s32 $0xFFFFFF80  }
0xc: {  	[tilespmem:s7], [sflag:$0x2] =	stream.linear.gather [hbm4b:s6+s3], $0x4000, $0x38;
	[tilespmem:$0x4080] =	vst v63  }
0xd: {  	p0 =	sne.s32 s9, $0x1;
	_ =	swait.ge [sflag:s5], $0x4000  }
.Ltmp0:
0xe: {  	[sflag:s5] =	ssyncset.done $0x0;
	(pc) =	sbr.rel @!p0 .LBB2_2-.Ltmp0, $4  }
0xf: {  	s8 =	simm.s32 $0x1;
	[sflag:s5] =	ssyncadd.s32 $0xFFFFC000  }
0x10: {  	[hbm4b:s1+s7] =	stream.indirect.scatter [tilespmem:s7], [sflag:$0x1], $0x80, s3, s7, $0xb8;
	[tilespmem:$0x4080] =	vst v63  }
0x11: {  	_ =	swait.ge [sflag:s8], $0x4000  }
0x12: {  	s9 =	sadd.s32 $0xFFFFFFFF, s9;
	[sflag:s8] =	ssyncset.done $0x0  }
.LBB2_1:
0x13: {  	p0 =	sne.s32 s9, $0x1;
	s9 =	sadd.s32 $0xFFFFFFFF, s9;
	[sflag:s8] =	ssyncadd.s32 $0xFFFFC000  }
0x14: {  	[tilespmem:s3], [sflag:$0x2] =	stream.linear.gather [hbm4b:s4+s3], $0x80, $0x38;
	[tilespmem:$0x4080] =	vst v63  }
0x15: {  	_ =	swait.ge [sflag:s5], $0x80  }
0x16: {  	[sflag:s5] =	ssyncset.done $0x0  }
0x17: {  	[sflag:s5] =	ssyncadd.s32 $0xFFFFFF80  }
0x18: {  	[tilespmem:s7], [sflag:$0x2] =	stream.linear.gather [hbm4b:s6+s3], $0x4000, $0x38;
	[tilespmem:$0x4080] =	vst v63  }
0x19: {  	_ =	swait.ge [sflag:s5], $0x4000  }
.Ltmp1:
0x1a: {  	[sflag:s5] =	ssyncset.done $0x0;
	(pc) =	sbr.rel @p0 .LBB2_1-.Ltmp1, $4  }
0x1b: {  	[sflag:s5] =	ssyncadd.s32 $0xFFFFC000  }
0x1c: {  	[hbm4b:s1+s7] =	stream.indirect.scatter [tilespmem:s7], [sflag:$0x1], $0x80, s3, s7, $0xb8;
	[tilespmem:$0x4080] =	vst v63  }
0x1d: {  	_ =	swait.ge [sflag:s8], $0x4000  }
0x1e: {  	[sflag:s8] =	ssyncset.done $0x0  }
.LBB2_2:
0x1f: {  	[sflag:s8] =	ssyncadd.s32 $0xFFFFC000  }
0x20: {  	_ =	sfence.sel $0x180000  }
0x21: {  	[bflag:$0x0] =	sbarrier.arrive $0xFFFF  }
0x22: {  	p0 =	sne.s32 s0, $0x0;
	_ =	strace $0x9000004A  }
0x23: {  	s0 =	sadd.s32 @!p0 $0x100000, s2;
	[bflag:$0x2] =	sbarrier.arrive $0xFFFF  }
0x24: {  	[sflag:s0] =	ssyncadd.tile.s32 @!p0 $0x1;
	_ =	shalt  }
.Lfunc_end2:
_tile_overlayer_lowered:
.L_overlay_start_2:
0x25: {  	(tag) =	ssettag $0x2  }
0x26: {  	s0 =	rddreg [dreg:$0x0];
	s2 =	stileid.u32  }
0x27: {  	s1 =	rddreg [dreg:$0x1];
	p0 =	sne.s32 s2, $0x0  }
0x28: {  	s3 =	rddreg [dreg:$0x2];
	[bflag:$0x3] =	sbarrier.arrive $0xFFFF;
	s2 =	simm.s32 @!p0 $0x1C02  }
0x29: {  	[timem:s3], [sflag:s2] =	dma.local @!p0 [hbm:s0], s1  }
0x2a: {  	s0 =	simm.s32 @!p0 $0x2  }
0x2b: {  	_ =	swait.ge @!p0 [sflag:s0], s1  }
0x2c: {  	s1 =	ssub.s32 @!p0 $0x0, s1;
	[sflag:s0] =	ssyncset.done @!p0 $0x0  }
0x2d: {  	[sflag:s0] =	ssyncadd.s32 @!p0 s1  }
0x2e: {  	[bflag:$0x3] =	sbarrier.arrive $0xFFFF  }
0x2f: {  	_ =	shalt  }

</sc_bundles>
